<compile_context>
chip_gen: v7x
topology: tpu7x:2x2x1
jax: 0.10.2.dev20260603
libtpu: 0.0.44.dev20260713+nightly
codegen_flags: <defaults>
</compile_context>

<pallas_src>
import functools

import jax
import jax.numpy as jnp
from jax import lax
from jax.experimental import pallas as pl
from jax.experimental.pallas import tpu as pltpu
from jax.experimental.pallas import tpu_sc as plsc

NC = 2
NS = 16
NW = NC * NS

N_NODES = 10000
N_ACC = 10240
ROWS_PER_TILE = N_ACC // NS


def _mesh():
    return plsc.VectorSubcoreMesh(
        core_axis_name="c", subcore_axis_name="s", num_cores=NC, num_subcores=NS
    )




DEG_ROWS = N_ACC // 128


@functools.partial(jax.jit, static_argnums=(1,))
def _sc_degree(dst2d, n_idx_rows_per_worker):
    rpw = n_idx_rows_per_worker
    npt = N_ACC // NS

    @functools.partial(
        pl.kernel,
        out_type=jax.ShapeDtypeStruct((NC, N_ACC), jnp.float32),
        mesh=_mesh(),
        compiler_params=pltpu.CompilerParams(needs_layout_passes=False),
        scratch_types=[
            pltpu.VMEM((rpw, 128), jnp.int32),
            pltpu.VMEM((N_ACC,), jnp.float32),
            pltpu.VMEM((NS, npt), jnp.float32),
            pltpu.VMEM_SHARED((NS, N_ACC), jnp.float32),
        ],
    )
    def deg_kernel(dst_hbm, out_hbm, dst_v, deg_loc, red_v, stage_sh):
        c = lax.axis_index("c")
        s = lax.axis_index("s")
        wid = c * NS + s
        zeros16 = jnp.zeros((16,), jnp.float32)
        ones16 = jnp.ones((16,), jnp.float32)

        def zero_body(i, carry):
            deg_loc[pl.ds(pl.multiple_of(i * 16, 16), 16)] = zeros16
            return carry

        lax.fori_loop(0, N_ACC // 16, zero_body, 0)
        pltpu.sync_copy(dst_hbm.at[pl.ds(wid * rpw, rpw)], dst_v)

        def body(i, carry):
            d16 = dst_v[i // 8, pl.ds(pl.multiple_of((i % 8) * 16, 16), 16)]
            plsc.addupdate_scatter(deg_loc, [d16], ones16)
            return carry

        lax.fori_loop(0, rpw * 8, body, 0)

        pltpu.sync_copy(deg_loc, stage_sh.at[s])
        plsc.subcore_barrier()
        pltpu.sync_copy(stage_sh.at[:, pl.ds(s * npt, npt)], red_v)

        def red_body(i, carry):
            off = pl.ds(pl.multiple_of(i * 16, 16), 16)
            acc = red_v[0, off]
            for k in range(1, NS):
                acc = acc + red_v[k, off]
            deg_loc[off] = acc
            return carry

        lax.fori_loop(0, npt // 16, red_body, 0)
        pltpu.sync_copy(deg_loc.at[pl.ds(0, npt)],
                        out_hbm.at[c, pl.ds(s * npt, npt)])

    return deg_kernel(dst2d)


@functools.partial(jax.jit, static_argnums=(3, 4))
def _sc_aggregate(h, src2d, dst2d, d_feat, n_idx_rows_per_worker):
    G = 8
    NB = 2
    n_outer = n_idx_rows_per_worker // G
    zeros = jnp.zeros((ROWS_PER_TILE, d_feat), jnp.float32)

    @functools.partial(
        pl.kernel,
        out_type=jax.ShapeDtypeStruct((NC, N_ACC, d_feat), jnp.float32),
        mesh=_mesh(),
        scratch_types=[
            pltpu.VMEM((G, 128), jnp.int32),
            pltpu.VMEM((G, 128), jnp.int32),
            pltpu.VMEM((NB, 128, d_feat), jnp.float32),
            pltpu.VMEM_SHARED((N_ACC, d_feat), jnp.float32),
            [pltpu.SemaphoreType.DMA] * NB,
            [pltpu.SemaphoreType.DMA] * NB,
        ],
    )
    def agg_kernel(h_hbm, src_hbm, dst_hbm, zeros_hbm, out_hbm,
                   src_v, dst_v, rows_v, agg_sh, gsems, ssems):
        c = lax.axis_index("c")
        s = lax.axis_index("s")
        wid = c * NS + s
        pltpu.sync_copy(zeros_hbm, agg_sh.at[pl.ds(s * ROWS_PER_TILE, ROWS_PER_TILE)])
        plsc.subcore_barrier()

        def body(i, carry):
            base = wid * n_idx_rows_per_worker + i * G
            pltpu.sync_copy(src_hbm.at[pl.ds(base, G)], src_v)
            pltpu.sync_copy(dst_hbm.at[pl.ds(base, G)], dst_v)
            gcps = [
                pltpu.async_copy(h_hbm.at[src_v.at[j]], rows_v.at[j], gsems[j])
                for j in range(NB)
            ]
            for j in range(G):
                b = j % NB
                gcps[b].wait()
                pltpu.sync_copy(rows_v.at[b], agg_sh.at[dst_v.at[j]],
                                add=True)
                if j + NB < G:
                    gcps[b] = pltpu.async_copy(
                        h_hbm.at[src_v.at[j + NB]], rows_v.at[b], gsems[b])
            return carry

        lax.fori_loop(0, n_outer, body, 0)
        plsc.subcore_barrier()
        pltpu.sync_copy(
            agg_sh.at[pl.ds(s * ROWS_PER_TILE, ROWS_PER_TILE)],
            out_hbm.at[c, pl.ds(s * ROWS_PER_TILE, ROWS_PER_TILE)],
        )

    return agg_kernel(h, src2d, dst2d, zeros)




def _tc_first(deg_nm, x, w):
    n, d = x.shape

    def body(deg_ref, x_ref, w_ref, norm_ref, o_ref):
        dg = deg_ref[:, 0:1] + deg_ref[:, 1:2]
        nrm = jnp.where(dg > 0, 1.0 / jnp.sqrt(jnp.maximum(dg, 1.0)), 0.0)
        nrm2d = jnp.broadcast_to(nrm, (n, d))
        norm_ref[...] = nrm2d
        o_ref[...] = jnp.dot(x_ref[...], w_ref[...],
                             preferred_element_type=jnp.float32) * nrm2d

    return pl.pallas_call(
        body,
        out_shape=(
            jax.ShapeDtypeStruct((n, d), jnp.float32),
            jax.ShapeDtypeStruct((n, w.shape[1]), jnp.float32),
        ),
    )(deg_nm, x, w)


def _tc_post_and_next(parts, norm2d, b, w_next):
    n, d = norm2d.shape
    d_out = w_next.shape[1]

    def body(p_ref, norm_ref, b_ref, w_ref, o_ref):
        nrm = norm_ref[...]
        z = (p_ref[0, :n, :] + p_ref[1, :n, :]) * nrm + b_ref[...][None, :]
        z = jnp.maximum(z, 0.0)
        mu = jnp.mean(z)
        zc = z - mu
        var = jnp.mean(zc * zc)
        zn = zc / jnp.sqrt(var + 1e-5)
        o_ref[...] = jnp.dot(zn * nrm, w_ref[...],
                             preferred_element_type=jnp.float32)

    return pl.pallas_call(
        body,
        out_shape=jax.ShapeDtypeStruct((n, d_out), jnp.float32),
    )(parts, norm2d, b, w_next)


def _tc_final(parts, norm2d, b):
    n = norm2d.shape[0]
    d = b.shape[0]

    def body(p_ref, norm_ref, b_ref, o_ref):
        nrm = norm_ref[...][:, :d]
        o_ref[...] = (p_ref[0, :n, :d] + p_ref[1, :n, :d]) * nrm + b_ref[...][None, :]

    return pl.pallas_call(
        body,
        out_shape=jax.ShapeDtypeStruct((n, d), jnp.float32),
    )(parts, norm2d, b)




def kernel(features, edge_index, W0, b0, W1, b1, W2, b2, num_bits, num_grad_bits):
    n, _ = features.shape
    e = edge_index.shape[1]

    epw = ((e + NW - 1) // NW + 1023) // 1024 * 1024
    e_pad = epw * NW
    rows_per_worker = epw // 128
    pad_idx = jnp.arange(e_pad - e, dtype=jnp.int32)
    src = jnp.concatenate(
        [edge_index[0], pad_idx % n]
    ).reshape(e_pad // 128, 128)
    dst = jnp.concatenate(
        [edge_index[1], n + pad_idx % (N_ACC - n)]
    ).reshape(e_pad // 128, 128)

    deg_parts = _sc_degree(dst, rows_per_worker)
    deg_nm = deg_parts[:, :n].T

    norm2d, m0 = _tc_first(deg_nm, features, W0)
    p0 = _sc_aggregate(m0, src, dst, 128, rows_per_worker)

    m1 = _tc_post_and_next(p0, norm2d, b0, W1)
    p1 = _sc_aggregate(m1, src, dst, 128, rows_per_worker)

    w2p = jnp.concatenate([W2, jnp.zeros((W2.shape[0], 128 - W2.shape[1]),
                                         jnp.float32)], axis=1)
    m2 = _tc_post_and_next(p1, norm2d, b1, w2p)
    p2 = _sc_aggregate(m2, src, dst, 128, rows_per_worker)

    return _tc_final(p2, norm2d, b2)

# --- scband reference (transcript-rebuilt; emitter-appended) ---
"""Pipeline reference for scband-qgcn-63599875719519 (READ-ONLY COPY).

The authoritative reference and input builder live on the scoring server;
editing this copy changes nothing except your own understanding.
"""

import jax, jax.numpy as jnp
import numpy as np

N = 10000
E = 320000
D_IN = 128
D_HID = 128
N_CLASSES = 64


def setup_inputs(seed: int = 0) -> dict:
    key = jax.random.key(seed)
    ks = jax.random.split(key, 9)
    features = jax.random.normal(ks[0], (N, D_IN), dtype=jnp.float32)
    edge_index = jax.random.randint(ks[1], (2, E), 0, N, dtype=jnp.int32)
    W0 = jax.random.normal(ks[2], (D_IN, D_HID), dtype=jnp.float32) * (1.0 / np.sqrt(D_IN))
    b0 = jnp.zeros((D_HID,), dtype=jnp.float32)
    W1 = jax.random.normal(ks[3], (D_HID, D_HID), dtype=jnp.float32) * (1.0 / np.sqrt(D_HID))
    b1 = jnp.zeros((D_HID,), dtype=jnp.float32)
    W2 = jax.random.normal(ks[4], (D_HID, N_CLASSES), dtype=jnp.float32) * (1.0 / np.sqrt(D_HID))
    b2 = jnp.zeros((N_CLASSES,), dtype=jnp.float32)
    return {
        "features": features,
        "edge_index": edge_index,
        "W0": W0, "b0": b0,
        "W1": W1, "b1": b1,
        "W2": W2, "b2": b2,
        "num_bits": 0,
        "num_grad_bits": 0,
    }


def _quantize(x, num_bits):
    # num_bits == 0 means full precision in QGCN-style quantized training code
    return x


def _full_layer_norm(h, eps=1e-5):
    # F.layer_norm(h, h.shape): normalize over the entire tensor, no affine params
    mu = jnp.mean(h)
    var = jnp.var(h)
    return (h - mu) / jnp.sqrt(var + eps)


def _gconv(x, W, b, src, dst, norm, num_bits, act):
    h = _quantize(x, num_bits)
    # symmetric 'both' normalization as in DGL GraphConv
    h = h * norm[:, None]
    h = h @ _quantize(W, num_bits)
    msgs = jnp.take(h, src, axis=0)
    agg = jax.ops.segment_sum(msgs, dst, num_segments=x.shape[0])
    out = agg * norm[:, None] + b
    if act:
        out = jax.nn.relu(out)
    return out


def reference(features, edge_index, W0, b0, W1, b1, W2, b2, num_bits, num_grad_bits):
    src = edge_index[0]
    dst = edge_index[1]
    n = features.shape[0]
    deg = jax.ops.segment_sum(jnp.ones((src.shape[0],), dtype=features.dtype), dst, num_segments=n)
    norm = jnp.where(deg > 0, 1.0 / jnp.sqrt(jnp.maximum(deg, 1.0)), 0.0)
    # layer 0 (dropout skipped: eval mode)
    h = _gconv(features, W0, b0, src, dst, norm, num_bits, True)
    h = _full_layer_norm(h)
    # layer 1
    h = _gconv(h, W1, b1, src, dst, norm, num_bits, True)
    h = _full_layer_norm(h)
    # output layer (no activation, no layernorm)
    h = _gconv(h, W2, b2, src, dst, norm, num_bits, False)
    return h

if __name__ == "__main__":
    import jax
    _d = setup_inputs()
    print(jax.jit(kernel)(*tuple(_d.values())))

</pallas_src>

<mosaic_0001>
#map = affine_map<(d0, d1) -> (0, 0)>
module attributes {stable_mosaic.version = 14 : i64} {
  func.func @deg_kernel(%arg0: i32, %arg1: i32, %arg2: memref<2560x128xi32, #tpu.memory_space<hbm>>, %arg3: memref<2x10240xf32, #tpu.memory_space<hbm>>, %arg4: memref<80x128xi32, #tpu.memory_space<vmem>>, %arg5: memref<10240xf32, #tpu.memory_space<vmem>>, %arg6: memref<16x640xf32, #tpu.memory_space<vmem>>, %arg7: memref<16x10240xf32, #tpu.memory_space<vmem_shared>>) attributes {dimension_semantics = [#tpu.dimension_semantics<core_parallel>, #tpu.dimension_semantics<subcore_parallel>], iteration_bounds = array<i64: 2, 16>, scalar_prefetch = 0 : i64, scratch_operands = 4 : i64, tpu.core_type = #tpu.core_type<sc_vector_subcore>, window_params = [{transform_indices = #map}, {transform_indices = #map}]} {
    %mul3A = arith.constant 16 : i32
    %mul3A_0 = arith.muli %arg0, %mul3A : i32
    %add3A = arith.addi %mul3A_0, %arg1 : i32
    %broadcast_in_dim3A = arith.constant 0.000000e+00 : f32
    %broadcast_in_dim3A_1 = vector.broadcast %broadcast_in_dim3A : f32 to vector<16xf32>
    %broadcast_in_dim3A_2 = arith.constant 1.000000e+00 : f32
    %broadcast_in_dim3A_3 = vector.broadcast %broadcast_in_dim3A_2 : f32 to vector<16xf32>
    %scan3A = arith.constant 0 : i32
    %scan3A_4 = arith.constant 0 : i32
    %scan3A_5 = arith.constant 640 : i32
    %scan3A_6 = arith.addi %scan3A_4, %scan3A_5 : i32
    %scan3A_7 = arith.constant 1 : i32
    scf.for %scan3A_27 = %scan3A_4 to %scan3A_6 step %scan3A_7  : i32 {
      %mul3A_28 = arith.constant 16 : i32
      %mul3A_29 = arith.muli %scan3A_27, %mul3A_28 : i32
      %multiple_of3A = tpu.assume_multiple %mul3A_29, 16 : i32
      %swap3A = arith.index_cast %multiple_of3A : i32 to index
      %swap3A_30 = tpu.vector_load %arg5[%swap3A] {strides = array<i32>} : memref<10240xf32, #tpu.memory_space<vmem>>, vector<16xf32>,
      tpu.vector_store %arg5[%swap3A], %broadcast_in_dim3A_1 {strides = array<i32>} : memref<10240xf32, #tpu.memory_space<vmem>>, vector<16xf32>,
    }
    %scan3A_8 = arith.constant 640 : i32
    %mul3A_9 = arith.constant 80 : i32
    %mul3A_10 = arith.muli %add3A, %mul3A_9 : i32
    "tpu.region"() ({
      %run_scoped3A = tpu.sem_alloc : memref<!tpu.dma_semaphore, #tpu.memory_space<semaphore_mem>>
      %dma_start3A = arith.constant 0 : i32
      %dma_start3A_27 = tpu.memref_slice %arg2[%mul3A_10, %dma_start3A] : memref<2560x128xi32, #tpu.memory_space<hbm>> -> memref<80x128xi32, #tpu.memory_space<hbm>>
      %dma_start3A_28 = arith.constant 0 : i32
      %dma_start3A_29 = tpu.memref_slice %arg2[%mul3A_10, %dma_start3A_28] : memref<2560x128xi32, #tpu.memory_space<hbm>> -> memref<80x128xi32, #tpu.memory_space<hbm>>
      tpu.enqueue_dma source(%dma_start3A_29 : memref<80x128xi32, #tpu.memory_space<hbm>>) target(%arg4 : memref<80x128xi32, #tpu.memory_space<vmem>>) target_semaphore(%run_scoped3A : memref<!tpu.dma_semaphore, #tpu.memory_space<semaphore_mem>>)
      %dma_wait3A = arith.constant 0 : i32
      %dma_wait3A_30 = tpu.memref_slice %arg2[%mul3A_10, %dma_wait3A] : memref<2560x128xi32, #tpu.memory_space<hbm>> -> memref<80x128xi32, #tpu.memory_space<hbm>>
      %dma_wait3A_31 = arith.constant 0 : i32
      %dma_wait3A_32 = tpu.memref_slice %arg2[%mul3A_10, %dma_wait3A_31] : memref<2560x128xi32, #tpu.memory_space<hbm>> -> memref<80x128xi32, #tpu.memory_space<hbm>>
      tpu.wait_dma2 semaphore(%run_scoped3A : memref<!tpu.dma_semaphore, #tpu.memory_space<semaphore_mem>>) src(%dma_wait3A_32 : memref<80x128xi32, #tpu.memory_space<hbm>>) dst(%arg4 : memref<80x128xi32, #tpu.memory_space<vmem>>)
      tpu.yield
    }) : () -> ()
    %scan3A_11 = arith.constant 0 : i32
    %scan3A_12 = arith.constant 0 : i32
    %scan3A_13 = arith.constant 640 : i32
    %scan3A_14 = arith.addi %scan3A_12, %scan3A_13 : i32
    %scan3A_15 = arith.constant 1 : i32
    scf.for %scan3A_27 = %scan3A_12 to %scan3A_14 step %scan3A_15  : i32 {
      %jit3A = arith.constant 8 : i32
      %div3A = arith.divsi %scan3A_27, %jit3A : i32
      %sign3A = arith.constant 0 : i32
      %sign3A_28 = arith.cmpi sgt, %scan3A_27, %sign3A : i32
      %sign3A_29 = arith.extui %sign3A_28 : i1 to i32
      %sign3A_30 = arith.constant 0 : i32
      %sign3A_31 = arith.cmpi slt, %scan3A_27, %sign3A_30 : i32
      %sign3A_32 = arith.extui %sign3A_31 : i1 to i32
      %sign3A_33 = arith.subi %sign3A_29, %sign3A_32 : i32
      %sign3A_34 = arith.constant 0 : i32
      %sign3A_35 = arith.cmpi sgt, %jit3A, %sign3A_34 : i32
      %sign3A_36 = arith.extui %sign3A_35 : i1 to i32
      %sign3A_37 = arith.constant 0 : i32
      %sign3A_38 = arith.cmpi slt, %jit3A, %sign3A_37 : i32
      %sign3A_39 = arith.extui %sign3A_38 : i1 to i32
      %sign3A_40 = arith.subi %sign3A_36, %sign3A_39 : i32
      %ne3A = arith.cmpi ne, %sign3A_33, %sign3A_40 : i32
      %rem3A = arith.remsi %scan3A_27, %jit3A : i32
      %ne3A_41 = arith.constant 0 : i32
      %ne3A_42 = arith.cmpi ne, %rem3A, %ne3A_41 : i32
      %and3A = arith.andi %ne3A, %ne3A_42 : i1
      %sub3A = arith.constant 1 : i32
      %sub3A_43 = arith.subi %div3A, %sub3A : i32
      %select_n3A = arith.select %and3A, %sub3A_43, %div3A : i32
      %jit3A_44 = arith.constant 8 : i32
      %eq3A = arith.constant 0 : i32
      %eq3A_45 = arith.cmpi eq, %jit3A_44, %eq3A : i32
      %jit3A_46 = arith.constant 1 : i32
      %select_n3A_47 = arith.select %eq3A_45, %jit3A_46, %jit3A_44 : i32
      %rem3A_48 = arith.remsi %scan3A_27, %select_n3A_47 : i32
      %ne3A_49 = arith.constant 0 : i32
      %ne3A_50 = arith.cmpi ne, %rem3A_48, %ne3A_49 : i32
      %lt3A = arith.constant 0 : i32
      %lt3A_51 = arith.cmpi slt, %rem3A_48, %lt3A : i32
      %lt3A_52 = arith.constant 0 : i32
      %lt3A_53 = arith.cmpi slt, %select_n3A_47, %lt3A_52 : i32
      %ne3A_54 = arith.xori %lt3A_51, %lt3A_53 : i1
      %and3A_55 = arith.andi %ne3A_54, %ne3A_50 : i1
      %add3A_56 = arith.addi %rem3A_48, %select_n3A_47 : i32
      %select_n3A_57 = arith.select %and3A_55, %add3A_56, %rem3A_48 : i32
      %mul3A_58 = arith.constant 16 : i32
      %mul3A_59 = arith.muli %select_n3A_57, %mul3A_58 : i32
      %multiple_of3A = tpu.assume_multiple %mul3A_59, 16 : i32
      %get3A = arith.index_cast %select_n3A : i32 to index
      %get3A_60 = arith.index_cast %multiple_of3A : i32 to index
      %get3A_61 = tpu.vector_load %arg4[%get3A, %get3A_60] {strides = array<i32>} : memref<80x128xi32, #tpu.memory_space<vmem>>, vector<16xi32>,
      tpu.vector_store_idx %arg5[%get3A_61], %broadcast_in_dim3A_3 {add = true} : memref<10240xf32, #tpu.memory_space<vmem>>[vector<16xi32>], vector<16xf32>,
    }
    %scan3A_16 = arith.constant 640 : i32
    "tpu.region"() ({
      %run_scoped3A = tpu.sem_alloc : memref<!tpu.dma_semaphore, #tpu.memory_space<semaphore_mem>>
      %dma_start3A = arith.constant 0 : i32
      %dma_start3A_27 = tpu.memref_slice %arg7[%arg1, %dma_start3A] : memref<16x10240xf32, #tpu.memory_space<vmem_shared>> -> memref<1x10240xf32, #tpu.memory_space<vmem_shared>>
      %dma_start3A_28 = tpu.memref_squeeze %dma_start3A_27 : memref<1x10240xf32, #tpu.memory_space<vmem_shared>> -> memref<10240xf32, #tpu.memory_space<vmem_shared>>
      %dma_start3A_29 = arith.constant 0 : i32
      %dma_start3A_30 = tpu.memref_slice %arg7[%arg1, %dma_start3A_29] : memref<16x10240xf32, #tpu.memory_space<vmem_shared>> -> memref<1x10240xf32, #tpu.memory_space<vmem_shared>>
      %dma_start3A_31 = tpu.memref_squeeze %dma_start3A_30 : memref<1x10240xf32, #tpu.memory_space<vmem_shared>> -> memref<10240xf32, #tpu.memory_space<vmem_shared>>
      tpu.enqueue_dma source(%arg5 : memref<10240xf32, #tpu.memory_space<vmem>>) target(%dma_start3A_31 : memref<10240xf32, #tpu.memory_space<vmem_shared>>) target_semaphore(%run_scoped3A : memref<!tpu.dma_semaphore, #tpu.memory_space<semaphore_mem>>)
      %dma_wait3A = arith.constant 0 : i32
      %dma_wait3A_32 = tpu.memref_slice %arg7[%arg1, %dma_wait3A] : memref<16x10240xf32, #tpu.memory_space<vmem_shared>> -> memref<1x10240xf32, #tpu.memory_space<vmem_shared>>
      %dma_wait3A_33 = tpu.memref_squeeze %dma_wait3A_32 : memref<1x10240xf32, #tpu.memory_space<vmem_shared>> -> memref<10240xf32, #tpu.memory_space<vmem_shared>>
      %dma_wait3A_34 = arith.constant 0 : i32
      %dma_wait3A_35 = tpu.memref_slice %arg7[%arg1, %dma_wait3A_34] : memref<16x10240xf32, #tpu.memory_space<vmem_shared>> -> memref<1x10240xf32, #tpu.memory_space<vmem_shared>>
      %dma_wait3A_36 = tpu.memref_squeeze %dma_wait3A_35 : memref<1x10240xf32, #tpu.memory_space<vmem_shared>> -> memref<10240xf32, #tpu.memory_space<vmem_shared>>
      tpu.wait_dma2 semaphore(%run_scoped3A : memref<!tpu.dma_semaphore, #tpu.memory_space<semaphore_mem>>) src(%arg5 : memref<10240xf32, #tpu.memory_space<vmem>>) dst(%dma_wait3A_36 : memref<10240xf32, #tpu.memory_space<vmem_shared>>)
      tpu.yield
    }) : () -> ()
    %barrier3A = arith.constant 0 : index
    tpu.barrier barrier_id(%barrier3A)
    %mul3A_17 = arith.constant 640 : i32
    %mul3A_18 = arith.muli %arg1, %mul3A_17 : i32
    "tpu.region"() ({
      %run_scoped3A = tpu.sem_alloc : memref<!tpu.dma_semaphore, #tpu.memory_space<semaphore_mem>>
      %dma_start3A = arith.constant 0 : i32
      %dma_start3A_27 = tpu.memref_slice %arg7[%dma_start3A, %mul3A_18] : memref<16x10240xf32, #tpu.memory_space<vmem_shared>> -> memref<16x640xf32, #tpu.memory_space<vmem_shared>>
      %dma_start3A_28 = arith.constant 0 : i32
      %dma_start3A_29 = tpu.memref_slice %arg7[%dma_start3A_28, %mul3A_18] : memref<16x10240xf32, #tpu.memory_space<vmem_shared>> -> memref<16x640xf32, #tpu.memory_space<vmem_shared>>
      tpu.enqueue_dma source(%dma_start3A_29 : memref<16x640xf32, #tpu.memory_space<vmem_shared>>) target(%arg6 : memref<16x640xf32, #tpu.memory_space<vmem>>) target_semaphore(%run_scoped3A : memref<!tpu.dma_semaphore, #tpu.memory_space<semaphore_mem>>)
      %dma_wait3A = arith.constant 0 : i32
      %dma_wait3A_30 = tpu.memref_slice %arg7[%dma_wait3A, %mul3A_18] : memref<16x10240xf32, #tpu.memory_space<vmem_shared>> -> memref<16x640xf32, #tpu.memory_space<vmem_shared>>
      %dma_wait3A_31 = arith.constant 0 : i32
      %dma_wait3A_32 = tpu.memref_slice %arg7[%dma_wait3A_31, %mul3A_18] : memref<16x10240xf32, #tpu.memory_space<vmem_shared>> -> memref<16x640xf32, #tpu.memory_space<vmem_shared>>
      tpu.wait_dma2 semaphore(%run_scoped3A : memref<!tpu.dma_semaphore, #tpu.memory_space<semaphore_mem>>) src(%dma_wait3A_32 : memref<16x640xf32, #tpu.memory_space<vmem_shared>>) dst(%arg6 : memref<16x640xf32, #tpu.memory_space<vmem>>)
      tpu.yield
    }) : () -> ()
    %scan3A_19 = arith.constant 0 : i32
    %scan3A_20 = arith.constant 0 : i32
    %scan3A_21 = arith.constant 40 : i32
    %scan3A_22 = arith.addi %scan3A_20, %scan3A_21 : i32
    %scan3A_23 = arith.constant 1 : i32
    scf.for %scan3A_27 = %scan3A_20 to %scan3A_22 step %scan3A_23  : i32 {
      %mul3A_28 = arith.constant 16 : i32
      %mul3A_29 = arith.muli %scan3A_27, %mul3A_28 : i32
      %multiple_of3A = tpu.assume_multiple %mul3A_29, 16 : i32
      %get3A = arith.constant 0 : i32
      %get3A_30 = arith.index_cast %get3A : i32 to index
      %get3A_31 = arith.index_cast %multiple_of3A : i32 to index
      %get3A_32 = tpu.vector_load %arg6[%get3A_30, %get3A_31] {strides = array<i32>} : memref<16x640xf32, #tpu.memory_space<vmem>>, vector<16xf32>,
      %get3A_33 = arith.constant 1 : i32
      %get3A_34 = arith.index_cast %get3A_33 : i32 to index
      %get3A_35 = arith.index_cast %multiple_of3A : i32 to index
      %get3A_36 = tpu.vector_load %arg6[%get3A_34, %get3A_35] {strides = array<i32>} : memref<16x640xf32, #tpu.memory_space<vmem>>, vector<16xf32>,
      %add3A_37 = arith.addf %get3A_32, %get3A_36 : vector<16xf32>
      %get3A_38 = arith.constant 2 : i32
      %get3A_39 = arith.index_cast %get3A_38 : i32 to index
      %get3A_40 = arith.index_cast %multiple_of3A : i32 to index
      %get3A_41 = tpu.vector_load %arg6[%get3A_39, %get3A_40] {strides = array<i32>} : memref<16x640xf32, #tpu.memory_space<vmem>>, vector<16xf32>,
      %add3A_42 = arith.addf %add3A_37, %get3A_41 : vector<16xf32>
      %get3A_43 = arith.constant 3 : i32
      %get3A_44 = arith.index_cast %get3A_43 : i32 to index
      %get3A_45 = arith.index_cast %multiple_of3A : i32 to index
      %get3A_46 = tpu.vector_load %arg6[%get3A_44, %get3A_45] {strides = array<i32>} : memref<16x640xf32, #tpu.memory_space<vmem>>, vector<16xf32>,
      %add3A_47 = arith.addf %add3A_42, %get3A_46 : vector<16xf32>
      %get3A_48 = arith.constant 4 : i32
      %get3A_49 = arith.index_cast %get3A_48 : i32 to index
      %get3A_50 = arith.index_cast %multiple_of3A : i32 to index
      %get3A_51 = tpu.vector_load %arg6[%get3A_49, %get3A_50] {strides = array<i32>} : memref<16x640xf32, #tpu.memory_space<vmem>>, vector<16xf32>,
      %add3A_52 = arith.addf %add3A_47, %get3A_51 : vector<16xf32>
      %get3A_53 = arith.constant 5 : i32
      %get3A_54 = arith.index_cast %get3A_53 : i32 to index
      %get3A_55 = arith.index_cast %multiple_of3A : i32 to index
      %get3A_56 = tpu.vector_load %arg6[%get3A_54, %get3A_55] {strides = array<i32>} : memref<16x640xf32, #tpu.memory_space<vmem>>, vector<16xf32>,
      %add3A_57 = arith.addf %add3A_52, %get3A_56 : vector<16xf32>
      %get3A_58 = arith.constant 6 : i32
      %get3A_59 = arith.index_cast %get3A_58 : i32 to index
      %get3A_60 = arith.index_cast %multiple_of3A : i32 to index
      %get3A_61 = tpu.vector_load %arg6[%get3A_59, %get3A_60] {strides = array<i32>} : memref<16x640xf32, #tpu.memory_space<vmem>>, vector<16xf32>,
      %add3A_62 = arith.addf %add3A_57, %get3A_61 : vector<16xf32>
      %get3A_63 = arith.constant 7 : i32
      %get3A_64 = arith.index_cast %get3A_63 : i32 to index
      %get3A_65 = arith.index_cast %multiple_of3A : i32 to index
      %get3A_66 = tpu.vector_load %arg6[%get3A_64, %get3A_65] {strides = array<i32>} : memref<16x640xf32, #tpu.memory_space<vmem>>, vector<16xf32>,
      %add3A_67 = arith.addf %add3A_62, %get3A_66 : vector<16xf32>
      %get3A_68 = arith.constant 8 : i32
      %get3A_69 = arith.index_cast %get3A_68 : i32 to index
      %get3A_70 = arith.index_cast %multiple_of3A : i32 to index
      %get3A_71 = tpu.vector_load %arg6[%get3A_69, %get3A_70] {strides = array<i32>} : memref<16x640xf32, #tpu.memory_space<vmem>>, vector<16xf32>,
      %add3A_72 = arith.addf %add3A_67, %get3A_71 : vector<16xf32>
      %get3A_73 = arith.constant 9 : i32
      %get3A_74 = arith.index_cast %get3A_73 : i32 to index
      %get3A_75 = arith.index_cast %multiple_of3A : i32 to index
      %get3A_76 = tpu.vector_load %arg6[%get3A_74, %get3A_75] {strides = array<i32>} : memref<16x640xf32, #tpu.memory_space<vmem>>, vector<16xf32>,
      %add3A_77 = arith.addf %add3A_72, %get3A_76 : vector<16xf32>
      %get3A_78 = arith.constant 10 : i32
      %get3A_79 = arith.index_cast %get3A_78 : i32 to index
      %get3A_80 = arith.index_cast %multiple_of3A : i32 to index
      %get3A_81 = tpu.vector_load %arg6[%get3A_79, %get3A_80] {strides = array<i32>} : memref<16x640xf32, #tpu.memory_space<vmem>>, vector<16xf32>,
      %add3A_82 = arith.addf %add3A_77, %get3A_81 : vector<16xf32>
      %get3A_83 = arith.constant 11 : i32
      %get3A_84 = arith.index_cast %get3A_83 : i32 to index
      %get3A_85 = arith.index_cast %multiple_of3A : i32 to index
      %get3A_86 = tpu.vector_load %arg6[%get3A_84, %get3A_85] {strides = array<i32>} : memref<16x640xf32, #tpu.memory_space<vmem>>, vector<16xf32>,
      %add3A_87 = arith.addf %add3A_82, %get3A_86 : vector<16xf32>
      %get3A_88 = arith.constant 12 : i32
      %get3A_89 = arith.index_cast %get3A_88 : i32 to index
      %get3A_90 = arith.index_cast %multiple_of3A : i32 to index
      %get3A_91 = tpu.vector_load %arg6[%get3A_89, %get3A_90] {strides = array<i32>} : memref<16x640xf32, #tpu.memory_space<vmem>>, vector<16xf32>,
      %add3A_92 = arith.addf %add3A_87, %get3A_91 : vector<16xf32>
      %get3A_93 = arith.constant 13 : i32
      %get3A_94 = arith.index_cast %get3A_93 : i32 to index
      %get3A_95 = arith.index_cast %multiple_of3A : i32 to index
      %get3A_96 = tpu.vector_load %arg6[%get3A_94, %get3A_95] {strides = array<i32>} : memref<16x640xf32, #tpu.memory_space<vmem>>, vector<16xf32>,
      %add3A_97 = arith.addf %add3A_92, %get3A_96 : vector<16xf32>
      %get3A_98 = arith.constant 14 : i32
      %get3A_99 = arith.index_cast %get3A_98 : i32 to index
      %get3A_100 = arith.index_cast %multiple_of3A : i32 to index
      %get3A_101 = tpu.vector_load %arg6[%get3A_99, %get3A_100] {strides = array<i32>} : memref<16x640xf32, #tpu.memory_space<vmem>>, vector<16xf32>,
      %add3A_102 = arith.addf %add3A_97, %get3A_101 : vector<16xf32>
      %get3A_103 = arith.constant 15 : i32
      %get3A_104 = arith.index_cast %get3A_103 : i32 to index
      %get3A_105 = arith.index_cast %multiple_of3A : i32 to index
      %get3A_106 = tpu.vector_load %arg6[%get3A_104, %get3A_105] {strides = array<i32>} : memref<16x640xf32, #tpu.memory_space<vmem>>, vector<16xf32>,
      %add3A_107 = arith.addf %add3A_102, %get3A_106 : vector<16xf32>
      %swap3A = arith.index_cast %multiple_of3A : i32 to index
      %swap3A_108 = tpu.vector_load %arg5[%swap3A] {strides = array<i32>} : memref<10240xf32, #tpu.memory_space<vmem>>, vector<16xf32>,
      tpu.vector_store %arg5[%swap3A], %add3A_107 {strides = array<i32>} : memref<10240xf32, #tpu.memory_space<vmem>>, vector<16xf32>,
    }
    %scan3A_24 = arith.constant 40 : i32
    %mul3A_25 = arith.constant 640 : i32
    %mul3A_26 = arith.muli %arg1, %mul3A_25 : i32
    "tpu.region"() ({
      %run_scoped3A = tpu.sem_alloc : memref<!tpu.dma_semaphore, #tpu.memory_space<semaphore_mem>>
      %dma_start3A = arith.constant 0 : i32
      %dma_start3A_27 = tpu.memref_slice %arg5[%dma_start3A] : memref<10240xf32, #tpu.memory_space<vmem>> -> memref<640xf32, #tpu.memory_space<vmem>>
      %dma_start3A_28 = tpu.memref_slice %arg3[%arg0, %mul3A_26] : memref<2x10240xf32, #tpu.memory_space<hbm>> -> memref<1x640xf32, #tpu.memory_space<hbm>>
      %dma_start3A_29 = tpu.memref_squeeze %dma_start3A_28 : memref<1x640xf32, #tpu.memory_space<hbm>> -> memref<640xf32, #tpu.memory_space<hbm>>
      %dma_start3A_30 = tpu.memref_slice %arg3[%arg0, %mul3A_26] : memref<2x10240xf32, #tpu.memory_space<hbm>> -> memref<1x640xf32, #tpu.memory_space<hbm>>
      %dma_start3A_31 = tpu.memref_squeeze %dma_start3A_30 : memref<1x640xf32, #tpu.memory_space<hbm>> -> memref<640xf32, #tpu.memory_space<hbm>>
      %dma_start3A_32 = arith.constant 0 : i32
      %dma_start3A_33 = tpu.memref_slice %arg5[%dma_start3A_32] : memref<10240xf32, #tpu.memory_space<vmem>> -> memref<640xf32, #tpu.memory_space<vmem>>
      tpu.enqueue_dma source(%dma_start3A_33 : memref<640xf32, #tpu.memory_space<vmem>>) target(%dma_start3A_31 : memref<640xf32, #tpu.memory_space<hbm>>) target_semaphore(%run_scoped3A : memref<!tpu.dma_semaphore, #tpu.memory_space<semaphore_mem>>)
      %dma_wait3A = arith.constant 0 : i32
      %dma_wait3A_34 = tpu.memref_slice %arg5[%dma_wait3A] : memref<10240xf32, #tpu.memory_space<vmem>> -> memref<640xf32, #tpu.memory_space<vmem>>
      %dma_wait3A_35 = tpu.memref_slice %arg3[%arg0, %mul3A_26] : memref<2x10240xf32, #tpu.memory_space<hbm>> -> memref<1x640xf32, #tpu.memory_space<hbm>>
      %dma_wait3A_36 = tpu.memref_squeeze %dma_wait3A_35 : memref<1x640xf32, #tpu.memory_space<hbm>> -> memref<640xf32, #tpu.memory_space<hbm>>
      %dma_wait3A_37 = tpu.memref_slice %arg3[%arg0, %mul3A_26] : memref<2x10240xf32, #tpu.memory_space<hbm>> -> memref<1x640xf32, #tpu.memory_space<hbm>>
      %dma_wait3A_38 = tpu.memref_squeeze %dma_wait3A_37 : memref<1x640xf32, #tpu.memory_space<hbm>> -> memref<640xf32, #tpu.memory_space<hbm>>
      %dma_wait3A_39 = arith.constant 0 : i32
      %dma_wait3A_40 = tpu.memref_slice %arg5[%dma_wait3A_39] : memref<10240xf32, #tpu.memory_space<vmem>> -> memref<640xf32, #tpu.memory_space<vmem>>
      tpu.wait_dma2 semaphore(%run_scoped3A : memref<!tpu.dma_semaphore, #tpu.memory_space<semaphore_mem>>) src(%dma_wait3A_40 : memref<640xf32, #tpu.memory_space<vmem>>) dst(%dma_wait3A_38 : memref<640xf32, #tpu.memory_space<hbm>>)
      tpu.yield
    }) : () -> ()
    return
  }
}

</mosaic_0001>

<sc_bundles>
// kernel: _sc_degree.3.cloned.1.call-start
scs
__scs_entry_jumppad:
0x0: {  	(pc) =	sbr.rel $0x88, $3  }
0x1: {  	(tag) =	ssettag $0x0;
	lr =	simm.s32 $0x1  }
0x2: {  	[smem:$0x3FA0] =	sst lr;
	_ =	strace $0xD0000000  }
0x3: {  	_ = 	snop  }
0x4: {  	_ = 	snop  }
0x5: {  	_ = 	snop  }
0x6: {  	_ = 	snop  }
0x7: {  	_ = 	snop  }
__scs_overlays_trampoline_lowered:
0x8: {  	[smem:$0x3FAF] =	sst s0  }
0x9: {  	[smem:$0x3FB0] =	sst s1  }
0xa: {  	[smem:$0x3FB1] =	sst s2  }
0xb: {  	[smem:$0x3FB2] =	sst s3  }
0xc: {  	[smem:$0x3FB3] =	sst s4  }
0xd: {  	[smem:$0x3FB4] =	sst s5  }
0xe: {  	[smem:$0x3FB5] =	sst s6  }
0xf: {  	[smem:$0x3FB6] =	sst s7  }
0x10: {  	[smem:$0x3FB7] =	sst s8  }
0x11: {  	[smem:$0x3FB8] =	sst s9;
	s0 =	simm.s32 @!p0 $0x0  }
0x12: {  	s1 =	sld [smem:$0x3F9E];
	s0 =	simm.s32 @p0 $0x1  }
0x13: {  	[smem:$0x3FB9] =	sst s0;
	s0 =	simm.s32 @!p1 $0x0  }
0x14: {  	s2 =	sld [smem:$0x3F9D];
	s0 =	simm.s32 @p1 $0x1  }
0x15: {  	[smem:$0x3FBA] =	sst s0;
	s0 =	simm.s32 @!p2 $0x0  }
0x16: {  	s3 =	sld [smem:$0x3FDB];
	s0 =	simm.s32 @p2 $0x1  }
0x17: {  	s4 =	simm.s32 $0x1BF5;
	[smem:$0x3FBC] =	sst s0  }
0x18: {  	s0 =	sld [smem:$0x3F9F];
	_ =	swait.ge [sflag:s4], $0x0  }
0x19: {  	s7 =	sld [smem:$0x3FA0]  }
0x1a: {  	s8 =	sadd.s32 $0xFFFFE003, lr  }
0x1b: {  	s9 =	sadd.s32 $0xFFFFFEF7, lr;
	s5 =	simm.s32 $0xFFFFFFFF;
	p2 =	slt.u32 s8, $0xFFFFF086  }
0x1c: {  	p1 =	slt.u32 s9, $0xF7A;
	s5 =	simm.s32 @!p2 $0x0  }
0x1d: {  	s5 =	simm.s32 @p1 $0x1;
	p0 =	seq.s32 s7, s2  }
0x1e: {  	s7 =	smul.u32 @!p0 $0xF7A, s2;
	p2 =	seq.s32 @!p0 s5, $0x0  }
0x1f: {  	s9 =	smul.u32 $0xF7A, s1;
	s8 =	simm.s32 @!p0 $0x1BF5;
	p2 =	por !p2, p0  }
0x20: {  	[sflag:s8] =	ssyncset.s32 @!p0 $0xFFFFF086;
	s6 =	sadd.s32 @!p0 s3, s7;
	s7 =	simm.s32 @!p0 $0x108  }
0x21: {  	s3 =	sadd.s32 s3, s9;
	s6 =	sadd.s32 @!p0 $0x88, s6;
	s7 =	simm.s32 @p2 $0x1082  }
0x22: {  	[simem:s7], [sflag:s8] =	dma.local @!p0 [hbm:s6], $0xF7A  }
0x23: {  	s9 =	sor.u32 $0xD0000000, s2;
	s6 =	simm.s32 $0x108;
	_ =	swait.ge @!p0 [sflag:s8], $0x0  }
0x24: {  	s3 =	sadd.s32 $0x88, s3;
	s6 =	simm.s32 @!p1 $0x1082;
	[sflag:s4] =	ssyncset.s32 $0xFFFFF086  }
0x25: {  	[simem:s6], [sflag:s4] =	dma.local [hbm:s3], $0xF7A  }
0x26: {  	[smem:$0x3FA0] =	sst s1;
	(tag) =	ssettag s2;
	_ =	strace s9  }
0x27: {  	s1 =	sld [smem:$0x3FB0]  }
0x28: {  	s2 =	sld [smem:$0x3FB1]  }
0x29: {  	s4 =	sld [smem:$0x3FB3]  }
0x2a: {  	p0 =	seq.s32 s5, $0x0;
	s5 =	sld [smem:$0x3FB4]  }
0x2b: {  	s6 =	sld [smem:$0x3FB5]  }
0x2c: {  	s7 =	sld [smem:$0x3FB6]  }
0x2d: {  	s3 =	simm.s32 $0x108;
	s8 =	sld [smem:$0x3FB7]  }
0x2e: {  	s3 =	simm.s32 @!p0 $0x1082;
	s9 =	sld [smem:$0x3FB8]  }
0x2f: {  	lr =	sadd.s32 s0, s3;
	s0 =	sld [smem:$0x3FAF]  }
0x30: {  	s3 =	sld [smem:$0x3FB2]  }
0x31: {  	[smem:$0x3FBB] =	sst s10  }
0x32: {  	s10 =	sld [smem:$0x3FB9];
	_ =	sdelay $0x3  }
0x33: {  	p0 =	seq.s32 s10, $0x1;
	s10 =	sld [smem:$0x3FBB];
	_ =	sdelay $0x3  }
0x34: {  	[smem:$0x3FBB] =	sst s10  }
0x35: {  	s10 =	sld [smem:$0x3FBA];
	_ =	sdelay $0x3  }
0x36: {  	p1 =	seq.s32 s10, $0x1;
	s10 =	sld [smem:$0x3FBB];
	_ =	sdelay $0x3  }
0x37: {  	[smem:$0x3FBB] =	sst s10  }
0x38: {  	s10 =	sld [smem:$0x3FBC]  }
0x39: {  	_ = 	snop;
	(pc) =	sbr.ind lr, $3  }
0x3a: {  	_ = 	snop  }
0x3b: {  	_ = 	snop  }
0x3c: {  	p2 =	seq.s32 s10, $0x1;
	s10 =	sld [smem:$0x3FBB]  }
0x3d: {  	_ =	shalt  }
0x3e: {  	_ =	shalt  }
0x3f: {  	_ =	shalt  }
0x40: {  	_ =	shalt  }
0x41: {  	_ =	shalt  }
0x42: {  	_ =	shalt  }
0x43: {  	_ =	shalt  }
0x44: {  	_ =	shalt  }
0x45: {  	_ =	shalt  }
0x46: {  	_ =	shalt  }
0x47: {  	_ =	shalt  }
0x48: {  	_ =	shalt  }
0x49: {  	_ =	shalt  }
0x4a: {  	_ =	shalt  }
0x4b: {  	_ =	shalt  }
0x4c: {  	_ =	shalt  }
0x4d: {  	_ =	shalt  }
0x4e: {  	_ =	shalt  }
0x4f: {  	_ =	shalt  }
0x50: {  	_ =	shalt  }
0x51: {  	_ =	shalt  }
0x52: {  	_ =	shalt  }
0x53: {  	_ =	shalt  }
0x54: {  	_ =	shalt  }
0x55: {  	_ =	shalt  }
0x56: {  	_ =	shalt  }
0x57: {  	_ =	shalt  }
0x58: {  	_ =	shalt  }
0x59: {  	_ =	shalt  }
0x5a: {  	_ =	shalt  }
0x5b: {  	_ =	shalt  }
0x5c: {  	_ =	shalt  }
0x5d: {  	_ =	shalt  }
0x5e: {  	_ =	shalt  }
0x5f: {  	_ =	shalt  }
0x60: {  	_ =	shalt  }
0x61: {  	_ =	shalt  }
0x62: {  	_ =	shalt  }
0x63: {  	_ =	shalt  }
0x64: {  	_ =	shalt  }
0x65: {  	_ =	shalt  }
0x66: {  	_ =	shalt  }
0x67: {  	_ =	shalt  }
0x68: {  	_ =	shalt  }
0x69: {  	_ =	shalt  }
0x6a: {  	_ =	shalt  }
0x6b: {  	_ =	shalt  }
0x6c: {  	_ =	shalt  }
0x6d: {  	_ =	shalt  }
0x6e: {  	_ =	shalt  }
0x6f: {  	_ =	shalt  }
0x70: {  	_ =	shalt  }
0x71: {  	_ =	shalt  }
0x72: {  	_ =	shalt  }
0x73: {  	_ =	shalt  }
0x74: {  	_ =	shalt  }
0x75: {  	_ =	shalt  }
0x76: {  	_ =	shalt  }
0x77: {  	_ =	shalt  }
0x78: {  	_ =	shalt  }
0x79: {  	_ =	shalt  }
0x7a: {  	_ =	shalt  }
0x7b: {  	_ =	shalt  }
0x7c: {  	_ =	shalt  }
0x7d: {  	_ =	shalt  }
0x7e: {  	_ =	shalt  }
0x7f: {  	_ =	shalt  }
0x80: {  	_ =	shalt  }
0x81: {  	_ =	shalt  }
0x82: {  	_ =	shalt  }
0x83: {  	_ =	shalt  }
0x84: {  	_ =	shalt  }
0x85: {  	_ =	shalt  }
0x86: {  	_ =	shalt  }
0x87: {  	_ =	shalt  }
.Lfunc_end0:
.L_simem_size_0:
called_computation_lowered:
.L_overlay_start_0:
0x88: {  	s2 =	sld [smem:$0x3FD9]  }
0x89: {  	s3 =	sld [smem:$0x3FFE];
	_ =	sdelay $0x1  }
0x8a: {  	s1 =	srdreg.scid  }
0x8b: {  	s0 =	sand.u32 $0x1, s1  }
0x8c: {  	s18 =	sshll.u32 s0, $0xA;
	s2 =	sadd.s32 s3, s2  }
0x8d: {  	s2 =	sadd.s32 s2, s18  }
0x8e: {  	[smem:$0x3FC7] =	sst s2  }
0x8f: {  	_ = 	snop  }
0x90: {  	s2 =	sld [smem:$0x3FC9]  }
0x91: {  	s19 =	sld [smem:$0x3FD0];
	(tm) =	ssettm $0x1  }
0x92: {  	s4 =	sld [smem:$0x3FFB];
	_ =	sdelay $0x3  }
0x93: {  	_ =	strace s4  }
0x94: {  	s4 =	sld [smem:$0x3FFC];
	_ =	sdelay $0x3  }
0x95: {  	_ =	strace s4  }
0x96: {  	s4 =	sld [smem:$0x3FFD];
	_ =	sdelay $0x3  }
0x97: {  	_ =	strace s4  }
0x98: {  	_ =	strace $0x8FFFFFFF  }
0x99: {  	s20 =	sld [smem:$0x3FDB];
	_ =	sdelay $0x1  }
0x9a: {  	s5 =	simm.s32 $_scs_section_size  }
0x9b: {  	s6 =	simm.s32 $_size__tile_overlayer_lowered;
	s7 =	simm.s32 $_tile_overlayer_lowered  }
0x9c: {  	s23 =	simm.s32 $0x1BFF;
	s22 =	sshll.u32 s7, $0x1;
	s4 =	sadd.s32 s5, s20  }
0x9d: {  	s8 =	simm.s32 $0x0;
	s21 =	sshll.u32 s6, $0x1;
	s6 =	sadd.s32 s22, s4  }
0x9e: {  	[timem:s8], [sflag:s23] =	dma.local [hbm:s6], s21  }
0x9f: {  	_ =	swait.ge [sflag:s23], s21  }
0xa0: {  	s5 =	ssub.s32 $0x0, s21;
	[sflag:s23] =	ssyncset.done $0x0  }
0xa1: {  	[sflag:s23] =	ssyncadd.s32 s5;
	_ =	sdelay $0x1  }
0xa2: {  	s24 =	simm.s32 $0x1B8B  }
0xa3: {  	_ =	swait.ge [sflag:s24], $0x1  }
0xa4: {  	[sflag:s24] =	ssyncset.done $0x0  }
0xa5: {  	s25 =	simm.s32 $0x1B8E;
	[sflag:s24] =	ssyncadd.s32 $0xFFFFFFFF  }
0xa6: {  	s26 =	simm.s32 $execute0_lowered;
	[smem:$0x3FD2] =	sst s25  }
0xa7: {  	s5 =	sshll.u32 s26, $0x1;
	_ =	strace $0x80000046;
	[dreg:$0x1] =	wrdreg $0xFFFFFFFF  }
0xa8: {  	s28 =	simm.s32 $_size_execute0_lowered;
	s4 =	sadd.s32 s4, s5;
	[dreg:$0x0] =	wrdreg $0x0  }
0xa9: {  	s5 =	sshll.u32 s28, $0x1;
	[dreg:$0x2] =	wrdreg s4  }
0xaa: {  	[dreg:$0x3] =	wrdreg s5  }
0xab: {  	[dreg:$0x4] =	wrdreg $0xC0  }
0xac: {  	_ =	task [dreg:s8], $0x5FFFF  }
0xad: {  	[dreg:$0x1] =	wrdreg $0xFFFFFFFF  }
0xae: {  	[dreg:$0x0] =	wrdreg $0x60  }
0xaf: {  	[dreg:$0x2] =	wrdreg s2  }
0xb0: {  	[dreg:$0x3] =	wrdreg s19  }
0xb1: {  	[dreg:$0x4] =	wrdreg $0x78000  }
0xb2: {  	[dreg:$0x5] =	wrdreg $0x9  }
0xb3: {  	_ =	task.clear_ibuf [dreg:s8], $0x6FFFF;
	_ =	strace $0x90000046  }
0xb4: {  	s29 =	simm.s32 $0x9;
	_ =	strace $0x80000048  }
0xb5: {  	_ =	swait.ge [sflag:s29], $0x1  }
0xb6: {  	[sflag:s29] =	ssyncadd.s32 $0xFFFFFFFF  }
0xb7: {  	_ =	strace $0x90000048  }
0xb8: {  	_ =	sfence  }
0xb9: {  	s30 =	sld [smem:$0x0];
	_ =	sdelay $0x2  }
0xba: {  	s31 =	sshll.u32 s1, $0xD;
	s1 =	sshrl.u32 s1, $0x2  }
0xbb: {  	s3 =	sand.u32 $0x4000, s31;
	s1 =	sadd.s32 s1, s30  }
0xbc: {  	s0 =	sor.u32 s3, s0;
	s1 =	sshll.u32 s1, $0x11  }
0xbd: {  	s0 =	sor.u32 s1, s0  }
0xbe: {  	s0 =	sadd.s32 $0x8F2B, s0  }
0xbf: {  	[sflag:s0] =	ssyncadd.remote.s32 $0x1  }
0xc0: {  	_ =	sfence.sel $0xFFFF  }
0xc1: {  	[dreg:$0x0] =	wrdreg $0xFFFFFFFF;
	(pc) =	sbr.abs _section_cstart, $3  }
0xc2: {  	[dreg:$0x1] =	wrdreg $0xFFFFFFFF  }
0xc3: {  	_ =	task.clear_ibuf [dreg:s8], $0x2FFFF;
	_ =	strace $0x9FFFFFFF  }
0xc4: {  	(tm) =	ssettm $0x7FFFFFFF  }
0xc5: {  	_ =	shalt  }
tec
execute0_lowered:
.L_overlay_start_1:
0x0: {  	(tag) =	ssettag $0x1  }
0x1: {  	s3 =	rddreg [dreg:$0x0]  }
0x2: {  	s6 =	rddreg [dreg:$0x1]  }
0x3: {  	s5 =	rddreg [dreg:$0x2]  }
0x4: {  	s1 =	srdreg.scid;
	s0 =	rddreg [dreg:$0x3]  }
0x5: {  	s2 =	simm.s32 $0x0;
	s12 =	simm.s32 $0x1400;
	s13 =	simm.s32 $0x14000  }
0x6: {  	s14 =	simm.s32 $0x5000;
	s15 =	simm.s32 $0x100;
	s4 =	sand.u32 $0x1, s1  }
0x7: {  	s1 =	stileid.u32;
	[smem:$0x7FF] =	sst s2;
	s7 =	sshll.u32 s4, $0x4  }
0x8: {  	s8 =	ssub.s32 $0x2, s4;
	s9 =	sshrl.u32 s1, $0x3;
	s26 =	smul.u32 $0x500, s1  }
0x9: {  	_ =	strace $0x80000047;
	s28 =	sshll.u32 s1, $0x7;
	s11 =	smul.u32 $0x5000, s1  }
0xa: {  	s7 =	sor.u32 s1, s7;
	s10 =	sshrl.u32 s8, $0x1;
	s9 =	smul.u32 $0x50000, s9  }
0xb: {  	s4 =	sshll.u32 s4, $0x7;
	s7 =	smul.u32 $0x500, s7;
	s8 =	ssub.s32 s8, s10  }
0xc: {  	s10 =	sand.u32 $0x380, s28;
	s4 =	sor.u32 s4, s26;
	s30 =	sshrl.u32 s11, $0x2  }
0xd: {  	s11 =	simm.s32 $0x400;
	s9 =	sshrl.u32 s9, $0x2;
	s31 =	sshrl.u32 s4, $0x3  }
0xe: {  	s3 =	sadd.s32 s3, s7;
	s29 =	sadd.s32 s9, s5;
	s5 =	sadd.s32 s30, s5  }
0xf: {  	s6 =	sadd.s32 s6, s31;
	s7 =	smax.u32 s8, $0x1;
	s8 =	simm.s32 $0x1  }
0x10: {  	v0 =	vimm.f32 $0.0e+00;
	v1 =	vimm.f32 $1.000000000e+00;
	s9 =	simm.s32 $0x2800;
	s4 =	sadd.s32 s10, s29;
	s10 =	simm.s32 $0x80  }
.LBB2_1:
0x11: {  	s16 =	simm.s32 $0x40;
	s17 =	simm.s32 $0x0  }
.LBB2_2:
0x12: {  	p0 =	sne.s32 s16, $0x9FC0;
	[tilespmem:s17+$0x2800] =	vst v0;
	s17 =	smov.u32 s16;
	s16 =	sadd.s32 $0x40, s16  }
.Ltmp0:
0x13: {  	(pc) =	sbr.rel @p0 .LBB2_2-.Ltmp0, $2  }
0x14: {  	_ =	sdelay $0x2  }
0x15: {  	s17 =	sshra.s32 s17, $0x2  }
0x16: {  	[tilespmem:s17+$0x2800] =	vst v0;
	s16 =	simm.s32 $0x0  }
0x17: {  	[tilespmem:s16], [sflag:$0x1] =	stream.linear.gather [hbm4b:s3+s16], $0x2800, $0x38;
	[tilespmem:$0xA000] =	vst v63  }
0x18: {  	s31 =	sand.u32 $0xFE00, s16;
	_ =	swait.ge [sflag:s8], $0x2800  }
0x19: {  	s16 =	sand.u32 $0x70, s16;
	s17 =	sshrl.u32 s31, $0x2;
	[sflag:s8] =	ssyncset.done $0x0  }
0x1a: {  	s16 =	sor.u32 s16, s17;
	[sflag:s8] =	ssyncadd.s32 $0xFFFFD800  }
0x1b: {  	v2 =	vld [tilespmem:s16+$0x0];
	_ =	sdelay $0x4  }
0x1c: {  	s18 =	simm.s32 $0x40  }
0x1d: {  	s18 =	sand.u32 $0xFE00, s18;
	s17 =	simm.s32 $0x80;
	s16 =	simm.s32 $0x10  }
.LBB2_4:
0x1e: {  	p0 =	sne.s32 s17, $0x9FC0;
	s19 =	sand.u32 $0x70, s16;
	s18 =	sshrl.u32 s18, $0x2  }
0x1f: {  	s18 =	sor.u32 s19, s18;
	[tilespmem:v2+s9+$0x0] =	vst.idx.add.f32.msk $0xffff, v1  }
0x20: {  	v2 =	vld [tilespmem:s18+$0x0];
	_ =	sdelay $0x1  }
.Ltmp1:
0x21: {  	(pc) =	sbr.rel @p0 .LBB2_4-.Ltmp1, $2  }
0x22: {  	_ =	sdelay $0x2  }
0x23: {  	s16 =	sadd.s32 $0x10, s16;
	s18 =	sand.u32 $0xFE00, s17;
	s17 =	sadd.s32 $0x40, s17  }
0x24: {  	_ =	sdelay $0x2  }
0x25: {  	s16 =	sand.u32 $0x70, s16;
	s17 =	sshrl.u32 s18, $0x2  }
0x26: {  	[tilespmem:v2+s9+$0x0] =	vst.idx.add.f32.msk $0xffff, v1;
	s16 =	sor.u32 s16, s17  }
0x27: {  	v2 =	vld [tilespmem:s16+$0x0];
	_ =	sdelay $0x7  }
0x28: {  	s16 =	simm.s32 $0x2800;
	[tilespmem:v2+s9+$0x0] =	vst.idx.add.f32.msk $0xffff, v1  }
0x29: {  	[spmem:s4] =	stream.strided.scatter [tilespmem:s16], [sflag:$0x1], $0x2800, s11, s10, $0x38;
	[tilespmem:$0xA000] =	vst v63  }
0x2a: {  	_ =	swait.ge [sflag:s8], $0x2800  }
0x2b: {  	[sflag:s8] =	ssyncset.done $0x0  }
0x2c: {  	[sflag:s8] =	ssyncadd.s32 $0xFFFFD800  }
0x2d: {  	[bflag:$0x0] =	sbarrier.arrive $0xFFFF  }
0x2e: {  	[tilespmem:s14], [sflag:$0x1] =	stream.strided.gather [spmem:s5], $0x2800, s13, s12, $0x38;
	[tilespmem:$0xA000] =	vst v63  }
0x2f: {  	s29 =	simm.s32 $0x0;
	_ =	swait.ge [sflag:s8], $0x2800  }
0x30: {  	s30 =	sand.u32 $0x70, s29;
	s17 =	sand.u32 $0x1C00, s29;
	[sflag:s8] =	ssyncset.done $0x0  }
0x31: {  	s17 =	sor.u32 s30, s17;
	[sflag:s8] =	ssyncadd.s32 $0xFFFFD800  }
0x32: {  	v2 =	vld [tilespmem:s17+$0x5080]  }
0x33: {  	v3 =	vld [tilespmem:s17+$0x5000];
	_ =	sdelay $0x1  }
0x34: {  	v4 =	vld [tilespmem:s17+$0x5100];
	_ =	sdelay $0x1  }
0x35: {  	v5 =	vld [tilespmem:s17+$0x5180]  }
0x36: {  	v2 =	vadd.f32 v2, v3  }
0x37: {  	v3 =	vld [tilespmem:s17+$0x5200]  }
0x38: {  	v2 =	vadd.f32 v4, v2  }
0x39: {  	v56 =	vld [tilespmem:s17+$0x5280]  }
0x3a: {  	v2 =	vadd.f32 v5, v2  }
0x3b: {  	v57 =	vld [tilespmem:s17+$0x5300]  }
0x3c: {  	v2 =	vadd.f32 v3, v2  }
0x3d: {  	v3 =	vld [tilespmem:s17+$0x5380]  }
0x3e: {  	v2 =	vadd.f32 v56, v2  }
0x3f: {  	v58 =	vld [tilespmem:s17+$0x6400]  }
0x40: {  	v2 =	vadd.f32 v57, v2  }
0x41: {  	v59 =	vld [tilespmem:s17+$0x6480]  }
0x42: {  	v2 =	vadd.f32 v3, v2  }
0x43: {  	v3 =	vld [tilespmem:s17+$0x6500]  }
0x44: {  	v2 =	vadd.f32 v58, v2  }
0x45: {  	v60 =	vld [tilespmem:s17+$0x6580]  }
0x46: {  	v2 =	vadd.f32 v59, v2  }
0x47: {  	v61 =	vld [tilespmem:s17+$0x6600]  }
0x48: {  	v2 =	vadd.f32 v3, v2  }
0x49: {  	v3 =	vld [tilespmem:s17+$0x6680]  }
0x4a: {  	v2 =	vadd.f32 v60, v2  }
0x4b: {  	v62 =	vld [tilespmem:s17+$0x6700]  }
0x4c: {  	v2 =	vadd.f32 v61, v2  }
0x4d: {  	v63 =	vld [tilespmem:s17+$0x6780]  }
0x4e: {  	v2 =	vadd.f32 v3, v2;
	_ =	sdelay $0x1  }
0x4f: {  	v2 =	vadd.f32 v62, v2;
	_ =	sdelay $0x1  }
0x50: {  	s31 =	simm.s32 $0x10;
	s18 =	simm.s32 $0x80;
	v2 =	vadd.f32 v63, v2  }
0x51: {  	s19 =	sand.u32 $0x1C00, s18;
	s17 =	sand.u32 $0x70, s31  }
0x52: {  	s17 =	sor.u32 s17, s19;
	s19 =	simm.s32 $0x20;
	[tilespmem:s16+$0x0] =	vst v2  }
.LBB2_6:
0x53: {  	p0 =	sne.s32 s19, $0x270;
	v2 =	vld [tilespmem:s17+$0x5080]  }
0x54: {  	v3 =	vld [tilespmem:s17+$0x5000];
	_ =	sdelay $0x1  }
0x55: {  	v4 =	vld [tilespmem:s17+$0x5100];
	_ =	sdelay $0x1  }
0x56: {  	v5 =	vld [tilespmem:s17+$0x5180]  }
0x57: {  	v2 =	vadd.f32 v2, v3  }
0x58: {  	v3 =	vld [tilespmem:s17+$0x5200]  }
0x59: {  	v2 =	vadd.f32 v4, v2  }
0x5a: {  	v4 =	vld [tilespmem:s17+$0x5280]  }
0x5b: {  	v2 =	vadd.f32 v5, v2  }
0x5c: {  	v5 =	vld [tilespmem:s17+$0x5300]  }
0x5d: {  	v2 =	vadd.f32 v3, v2  }
0x5e: {  	v3 =	vld [tilespmem:s17+$0x5380]  }
0x5f: {  	v2 =	vadd.f32 v4, v2  }
0x60: {  	v4 =	vld [tilespmem:s17+$0x6400]  }
0x61: {  	v2 =	vadd.f32 v5, v2  }
0x62: {  	v5 =	vld [tilespmem:s17+$0x6480]  }
0x63: {  	v2 =	vadd.f32 v3, v2  }
0x64: {  	v3 =	vld [tilespmem:s17+$0x6500]  }
0x65: {  	v2 =	vadd.f32 v4, v2  }
0x66: {  	v4 =	vld [tilespmem:s17+$0x6580]  }
0x67: {  	v2 =	vadd.f32 v5, v2  }
0x68: {  	v5 =	vld [tilespmem:s17+$0x6600]  }
0x69: {  	v2 =	vadd.f32 v3, v2  }
0x6a: {  	v3 =	vld [tilespmem:s17+$0x6680]  }
0x6b: {  	v2 =	vadd.f32 v4, v2  }
0x6c: {  	v4 =	vld [tilespmem:s17+$0x6700]  }
0x6d: {  	v2 =	vadd.f32 v5, v2  }
0x6e: {  	v5 =	vld [tilespmem:s17+$0x6780]  }
0x6f: {  	v2 =	vadd.f32 v3, v2;
	_ =	sdelay $0x1  }
.Ltmp2:
0x70: {  	v2 =	vadd.f32 v4, v2;
	(pc) =	sbr.rel @p0 .LBB2_6-.Ltmp2, $4  }
0x71: {  	_ = 	snop  }
0x72: {  	s18 =	sadd.s32 $0x80, s18;
	v2 =	vadd.f32 v5, v2  }
0x73: {  	s16 =	sadd.s32 $0x10, s16;
	s20 =	sand.u32 $0x1C00, s18;
	s17 =	sand.u32 $0x70, s19  }
0x74: {  	s19 =	sadd.s32 $0x10, s19;
	s17 =	sor.u32 s17, s20;
	[tilespmem:s16+$0x0] =	vst v2  }
0x75: {  	v2 =	vld [tilespmem:s17+$0x5080]  }
0x76: {  	v3 =	vld [tilespmem:s17+$0x5000];
	_ =	sdelay $0x1  }
0x77: {  	v4 =	vld [tilespmem:s17+$0x5100];
	_ =	sdelay $0x1  }
0x78: {  	v5 =	vld [tilespmem:s17+$0x5180]  }
0x79: {  	v2 =	vadd.f32 v2, v3  }
0x7a: {  	v3 =	vld [tilespmem:s17+$0x5200]  }
0x7b: {  	v2 =	vadd.f32 v4, v2  }
0x7c: {  	v56 =	vld [tilespmem:s17+$0x5280]  }
0x7d: {  	v2 =	vadd.f32 v5, v2  }
0x7e: {  	v57 =	vld [tilespmem:s17+$0x5300]  }
0x7f: {  	v2 =	vadd.f32 v3, v2  }
0x80: {  	v3 =	vld [tilespmem:s17+$0x5380]  }
0x81: {  	v2 =	vadd.f32 v56, v2  }
0x82: {  	v58 =	vld [tilespmem:s17+$0x6400]  }
0x83: {  	v2 =	vadd.f32 v57, v2  }
0x84: {  	v59 =	vld [tilespmem:s17+$0x6480]  }
0x85: {  	v2 =	vadd.f32 v3, v2  }
0x86: {  	v3 =	vld [tilespmem:s17+$0x6500]  }
0x87: {  	v2 =	vadd.f32 v58, v2  }
0x88: {  	v60 =	vld [tilespmem:s17+$0x6580]  }
0x89: {  	v2 =	vadd.f32 v59, v2  }
0x8a: {  	v61 =	vld [tilespmem:s17+$0x6600]  }
0x8b: {  	v2 =	vadd.f32 v3, v2  }
0x8c: {  	v3 =	vld [tilespmem:s17+$0x6680]  }
0x8d: {  	v2 =	vadd.f32 v60, v2  }
0x8e: {  	v62 =	vld [tilespmem:s17+$0x6700]  }
0x8f: {  	v2 =	vadd.f32 v61, v2  }
0x90: {  	v63 =	vld [tilespmem:s17+$0x6780]  }
0x91: {  	v2 =	vadd.f32 v3, v2;
	_ =	sdelay $0x1  }
0x92: {  	v2 =	vadd.f32 v62, v2;
	_ =	sdelay $0x1  }
0x93: {  	s2 =	sadd.s32 $0x1, s2;
	v2 =	vadd.f32 v63, v2  }
0x94: {  	s16 =	sadd.s32 $0x10, s16;
	p0 =	sne.s32 s2, s7  }
.Ltmp3:
0x95: {  	[tilespmem:s16+$0x0] =	vst v2;
	(pc) =	sbr.rel @p0 .LBB2_1-.Ltmp3, $4  }
0x96: {  	[hbm4b:s6+s10] =	stream.strided.scatter [tilespmem:s9], [sflag:$0x1], $0x280, s15, s10, $0x38;
	[tilespmem:$0xA000] =	vst v63  }
0x97: {  	_ =	swait.ge [sflag:s8], $0x280  }
0x98: {  	[sflag:s8] =	ssyncset.done $0x0  }
0x99: {  	[sflag:s8] =	ssyncadd.s32 $0xFFFFFD80  }
0x9a: {  	_ =	sfence.sel $0x180000  }
0x9b: {  	[bflag:$0x0] =	sbarrier.arrive $0xFFFF  }
0x9c: {  	p0 =	sne.s32 s1, $0x0;
	_ =	strace $0x90000047  }
0x9d: {  	s0 =	sadd.s32 @!p0 $0x100000, s0;
	[bflag:$0x2] =	sbarrier.arrive $0xFFFF  }
0x9e: {  	[sflag:s0] =	ssyncadd.tile.s32 @!p0 $0x1;
	_ =	shalt  }
.Lfunc_end2:
_tile_overlayer_lowered:
.L_overlay_start_2:
0x9f: {  	(tag) =	ssettag $0x2  }
0xa0: {  	s0 =	rddreg [dreg:$0x0];
	s2 =	stileid.u32  }
0xa1: {  	s1 =	rddreg [dreg:$0x1];
	p0 =	sne.s32 s2, $0x0  }
0xa2: {  	s3 =	rddreg [dreg:$0x2];
	[bflag:$0x3] =	sbarrier.arrive $0xFFFF;
	s2 =	simm.s32 @!p0 $0x1C01  }
0xa3: {  	[timem:s3], [sflag:s2] =	dma.local @!p0 [hbm:s0], s1  }
0xa4: {  	s0 =	simm.s32 @!p0 $0x1  }
0xa5: {  	_ =	swait.ge @!p0 [sflag:s0], s1  }
0xa6: {  	s1 =	ssub.s32 @!p0 $0x0, s1;
	[sflag:s0] =	ssyncset.done @!p0 $0x0  }
0xa7: {  	[sflag:s0] =	ssyncadd.s32 @!p0 s1  }
0xa8: {  	[bflag:$0x3] =	sbarrier.arrive $0xFFFF  }
0xa9: {  	_ =	shalt  }

</sc_bundles>
